<compile_context>
chip_gen: v7x
topology: tpu7x:2x2x1
jax: 0.10.2.dev20260603
libtpu: 0.0.44.dev20260713+nightly
codegen_flags: <defaults>
</compile_context>

<pallas_src>
import jax
import jax.numpy as jnp
from jax.experimental import pallas as pl

NUM_CANDIDATES = 8192
_ROWS = 4096
_SUB = 1024


def _score_body(feat_ref, coord_ref, w1a_ref, w1b_ref, w2_ref, out_ref):
    w = jnp.concatenate([w1a_ref[...], w1b_ref[...]], axis=0)
    for j in range(_ROWS // _SUB):
        x = jnp.concatenate([feat_ref[pl.ds(j * _SUB, _SUB), :],
                             coord_ref[pl.ds(j * _SUB, _SUB), :]], axis=1)
        h = jnp.maximum(jnp.dot(x, w, preferred_element_type=jnp.float32),
                        0.0)
        out_ref[:, pl.ds(j * _SUB, _SUB)] = jax.lax.dot_general(
            w2_ref[...], h,
            dimension_numbers=(((1,), (1,)), ((), ())),
            preferred_element_type=jnp.float32)


def _scores(feat, coord, W1, W2):
    N, D = feat.shape
    return pl.pallas_call(
        _score_body,
        grid=(N // _ROWS,),
        in_specs=[
            pl.BlockSpec((_ROWS, D), lambda i: (i, 0)),
            pl.BlockSpec((_ROWS, 3), lambda i: (i, 0)),
            pl.BlockSpec((D, D), lambda i: (0, 0)),
            pl.BlockSpec((3, D), lambda i: (0, 0)),
            pl.BlockSpec((1, D), lambda i: (0, 0)),
        ],
        out_specs=pl.BlockSpec((1, _ROWS), lambda i: (0, i)),
        out_shape=jax.ShapeDtypeStruct((1, N), jnp.float32),
    )(feat, coord, W1[:D], W1[D:], W2.reshape(1, D)).reshape(N)


def kernel(feat_list, coord_list, W1, b1, W2, b2):
    B, N, D = feat_list.shape
    M = min(NUM_CANDIDATES, N)
    feats = []
    coords = []
    for i in range(B):
        feat = feat_list[i]
        coord = coord_list[i]
        score = _scores(feat, coord, W1, W2)
        _, idx = jax.lax.top_k(score, M)
        feats.append(jnp.take(feat, idx, axis=0))
        coords.append(jnp.take(coord, idx, axis=0))
    return (jnp.stack(feats, axis=0), jnp.stack(coords, axis=0))

# --- scband reference (transcript-rebuilt; emitter-appended) ---
"""Pipeline reference for scband-point-prefilter-12816182411310 (READ-ONLY COPY).

The authoritative reference and input builder live on the scoring server;
editing this copy changes nothing except your own understanding.
"""

import jax, jax.numpy as jnp
import numpy as np

NUM_CANDIDATES = 8192

def setup_inputs(seed: int = 0) -> dict:
    key = jax.random.key(seed)
    k1, k2, k3, k4 = jax.random.split(key, 4)
    B, N, D = 1, 65536, 512
    feat_list = jax.random.normal(k1, (B, N, D), dtype=jnp.float32)
    coord_list = jax.random.normal(k2, (B, N, 3), dtype=jnp.float32)
    # score_mlp params: Linear(D+3 -> D), ReLU, Linear(D -> 1)
    W1 = jax.random.normal(k3, (D + 3, D), dtype=jnp.float32) / np.sqrt(D + 3)
    b1 = jnp.zeros((D,), dtype=jnp.float32)
    W2 = jax.random.normal(k4, (D, 1), dtype=jnp.float32) / np.sqrt(D)
    b2 = jnp.zeros((1,), dtype=jnp.float32)
    return {"feat_list": feat_list, "coord_list": coord_list,
            "W1": W1, "b1": b1, "W2": W2, "b2": b2}

def reference(feat_list, coord_list, W1, b1, W2, b2):
    # PointPrefilter forward, mode='surface':
    # for each cloud: score = MLP(cat([feat, coord])); idx = topk(score, M); gather.
    B = feat_list.shape[0]
    M = min(NUM_CANDIDATES, feat_list.shape[1])
    feats = []
    coords = []
    for i in range(B):
        feat = feat_list[i]   # (N, D)
        coord = coord_list[i]  # (N, 3)
        h = jnp.concatenate([feat, coord], axis=-1) @ W1 + b1
        h = jnp.maximum(h, 0.0)
        score = (h @ W2 + b2)[:, 0]  # (N,)
        _, idx = jax.lax.top_k(score, M)  # largest=True
        feats.append(jnp.take(feat, idx, axis=0))
        coords.append(jnp.take(coord, idx, axis=0))
    return (jnp.stack(feats, axis=0), jnp.stack(coords, axis=0))

if __name__ == "__main__":
    import jax
    _d = setup_inputs()
    print(jax.jit(kernel)(*tuple(_d.values())))

</pallas_src>

<mosaic_0001>
module attributes {stable_mosaic.version = 14 : i64} {
  func.func @_score_body(%arg0: i32, %arg1: memref<4096x512xf32, #tpu.memory_space<vmem>>, %arg2: memref<4096x3xf32, #tpu.memory_space<vmem>>, %arg3: memref<512x512xf32, #tpu.memory_space<vmem>>, %arg4: memref<3x512xf32, #tpu.memory_space<vmem>>, %arg5: memref<1x512xf32, #tpu.memory_space<vmem>>, %arg6: memref<1x4096xf32, #tpu.memory_space<vmem>>) attributes {dimension_semantics = [#tpu.dimension_semantics<arbitrary>], iteration_bounds = array<i64: 16>, scalar_prefetch = 0 : i64, scratch_operands = 0 : i64, tpu.core_type = #tpu.core_type<tc>, window_params = [{transform_indices = @transform_0, window_bounds = array<i64: 4096, 512>}, {transform_indices = @transform_1, window_bounds = array<i64: 4096, 3>}, {pipeline_mode = #tpu.pipeline_mode<synchronous>, transform_indices = @transform_2, window_bounds = array<i64: 512, 512>}, {pipeline_mode = #tpu.pipeline_mode<synchronous>, transform_indices = @transform_3, window_bounds = array<i64: 3, 512>}, {pipeline_mode = #tpu.pipeline_mode<synchronous>, transform_indices = @transform_4, window_bounds = array<i64: 1, 512>}, {transform_indices = @transform_5, window_bounds = array<i64: 1, 4096>}]} {
    %get3A = arith.constant 0 : index
    %get3A_0 = arith.constant 0 : index
    %get3A_1 = vector.load %arg3[%get3A, %get3A_0] : memref<512x512xf32, #tpu.memory_space<vmem>>, vector<512x512xf32>
    %get3A_2 = arith.constant 0 : index
    %get3A_3 = arith.constant 0 : index
    %get3A_4 = vector.load %arg4[%get3A_2, %get3A_3] : memref<3x512xf32, #tpu.memory_space<vmem>>, vector<3x512xf32>
    %concatenate3A = tpu.concatenate %get3A_1, %get3A_4 in 0 : vector<512x512xf32>, vector<3x512xf32> -> vector<515x512xf32>
    %get3A_5 = arith.constant 0 : index
    %get3A_6 = arith.constant 0 : index
    %get3A_7 = vector.load %arg1[%get3A_5, %get3A_6] : memref<4096x512xf32, #tpu.memory_space<vmem>>, vector<1024x512xf32>
    %get3A_8 = arith.constant 0 : index
    %get3A_9 = arith.constant 0 : index
    %get3A_10 = vector.load %arg2[%get3A_8, %get3A_9] : memref<4096x3xf32, #tpu.memory_space<vmem>>, vector<1024x3xf32>
    %concatenate3A_11 = tpu.concatenate %get3A_7, %get3A_10 in 1 : vector<1024x512xf32>, vector<1024x3xf32> -> vector<1024x515xf32>
    %dot_general3A = arith.constant dense<0.000000e+00> : vector<1024x512xf32>
    %dot_general3A_12 = tpu.matmul %concatenate3A_11, %concatenate3A, %dot_general3A {dimension_numbers = #tpu.dot_dimension_numbers<[1], [0], [0], [1], [0, 0, 1, 1], [], []>, transpose_lhs_hint = false} : vector<1024x515xf32>, vector<515x512xf32>, vector<1024x512xf32> -> vector<1024x512xf32>
    %max3A = arith.constant 0.000000e+00 : f32
    %max3A_13 = vector.broadcast %max3A : f32 to vector<1024x512xf32>
    %max3A_14 = arith.maximumf %dot_general3A_12, %max3A_13 : vector<1024x512xf32>
    %get3A_15 = arith.constant 0 : index
    %get3A_16 = arith.constant 0 : index
    %get3A_17 = vector.load %arg5[%get3A_15, %get3A_16] : memref<1x512xf32, #tpu.memory_space<vmem>>, vector<1x512xf32>
    %dot_general3A_18 = arith.constant dense<0.000000e+00> : vector<1x1024xf32>
    %dot_general3A_19 = tpu.matmul %get3A_17, %max3A_14, %dot_general3A_18 {dimension_numbers = #tpu.dot_dimension_numbers<[1], [1], [0], [0], [0, 0, 1, 0], [], []>, transpose_lhs_hint = false} : vector<1x512xf32>, vector<1024x512xf32>, vector<1x1024xf32> -> vector<1x1024xf32>
    %swap3A = arith.constant 0 : index
    %swap3A_20 = arith.constant 0 : index
    %swap3A_21 = vector.load %arg6[%swap3A, %swap3A_20] : memref<1x4096xf32, #tpu.memory_space<vmem>>, vector<1x1024xf32>
    tpu.vector_store %arg6[%swap3A, %swap3A_20], %dot_general3A_19 {strides = array<i32>} : memref<1x4096xf32, #tpu.memory_space<vmem>>, vector<1x1024xf32>,
    %get3A_22 = arith.constant 1024 : index
    %get3A_23 = arith.constant 0 : index
    %get3A_24 = vector.load %arg1[%get3A_22, %get3A_23] : memref<4096x512xf32, #tpu.memory_space<vmem>>, vector<1024x512xf32>
    %get3A_25 = arith.constant 1024 : index
    %get3A_26 = arith.constant 0 : index
    %get3A_27 = vector.load %arg2[%get3A_25, %get3A_26] : memref<4096x3xf32, #tpu.memory_space<vmem>>, vector<1024x3xf32>
    %concatenate3A_28 = tpu.concatenate %get3A_24, %get3A_27 in 1 : vector<1024x512xf32>, vector<1024x3xf32> -> vector<1024x515xf32>
    %dot_general3A_29 = arith.constant dense<0.000000e+00> : vector<1024x512xf32>
    %dot_general3A_30 = tpu.matmul %concatenate3A_28, %concatenate3A, %dot_general3A_29 {dimension_numbers = #tpu.dot_dimension_numbers<[1], [0], [0], [1], [0, 0, 1, 1], [], []>, transpose_lhs_hint = false} : vector<1024x515xf32>, vector<515x512xf32>, vector<1024x512xf32> -> vector<1024x512xf32>
    %max3A_31 = arith.constant 0.000000e+00 : f32
    %max3A_32 = vector.broadcast %max3A_31 : f32 to vector<1024x512xf32>
    %max3A_33 = arith.maximumf %dot_general3A_30, %max3A_32 : vector<1024x512xf32>
    %get3A_34 = arith.constant 0 : index
    %get3A_35 = arith.constant 0 : index
    %get3A_36 = vector.load %arg5[%get3A_34, %get3A_35] : memref<1x512xf32, #tpu.memory_space<vmem>>, vector<1x512xf32>
    %dot_general3A_37 = arith.constant dense<0.000000e+00> : vector<1x1024xf32>
    %dot_general3A_38 = tpu.matmul %get3A_36, %max3A_33, %dot_general3A_37 {dimension_numbers = #tpu.dot_dimension_numbers<[1], [1], [0], [0], [0, 0, 1, 0], [], []>, transpose_lhs_hint = false} : vector<1x512xf32>, vector<1024x512xf32>, vector<1x1024xf32> -> vector<1x1024xf32>
    %swap3A_39 = arith.constant 0 : index
    %swap3A_40 = arith.constant 1024 : index
    %swap3A_41 = vector.load %arg6[%swap3A_39, %swap3A_40] : memref<1x4096xf32, #tpu.memory_space<vmem>>, vector<1x1024xf32>
    tpu.vector_store %arg6[%swap3A_39, %swap3A_40], %dot_general3A_38 {strides = array<i32>} : memref<1x4096xf32, #tpu.memory_space<vmem>>, vector<1x1024xf32>,
    %get3A_42 = arith.constant 2048 : index
    %get3A_43 = arith.constant 0 : index
    %get3A_44 = vector.load %arg1[%get3A_42, %get3A_43] : memref<4096x512xf32, #tpu.memory_space<vmem>>, vector<1024x512xf32>
    %get3A_45 = arith.constant 2048 : index
    %get3A_46 = arith.constant 0 : index
    %get3A_47 = vector.load %arg2[%get3A_45, %get3A_46] : memref<4096x3xf32, #tpu.memory_space<vmem>>, vector<1024x3xf32>
    %concatenate3A_48 = tpu.concatenate %get3A_44, %get3A_47 in 1 : vector<1024x512xf32>, vector<1024x3xf32> -> vector<1024x515xf32>
    %dot_general3A_49 = arith.constant dense<0.000000e+00> : vector<1024x512xf32>
    %dot_general3A_50 = tpu.matmul %concatenate3A_48, %concatenate3A, %dot_general3A_49 {dimension_numbers = #tpu.dot_dimension_numbers<[1], [0], [0], [1], [0, 0, 1, 1], [], []>, transpose_lhs_hint = false} : vector<1024x515xf32>, vector<515x512xf32>, vector<1024x512xf32> -> vector<1024x512xf32>
    %max3A_51 = arith.constant 0.000000e+00 : f32
    %max3A_52 = vector.broadcast %max3A_51 : f32 to vector<1024x512xf32>
    %max3A_53 = arith.maximumf %dot_general3A_50, %max3A_52 : vector<1024x512xf32>
    %get3A_54 = arith.constant 0 : index
    %get3A_55 = arith.constant 0 : index
    %get3A_56 = vector.load %arg5[%get3A_54, %get3A_55] : memref<1x512xf32, #tpu.memory_space<vmem>>, vector<1x512xf32>
    %dot_general3A_57 = arith.constant dense<0.000000e+00> : vector<1x1024xf32>
    %dot_general3A_58 = tpu.matmul %get3A_56, %max3A_53, %dot_general3A_57 {dimension_numbers = #tpu.dot_dimension_numbers<[1], [1], [0], [0], [0, 0, 1, 0], [], []>, transpose_lhs_hint = false} : vector<1x512xf32>, vector<1024x512xf32>, vector<1x1024xf32> -> vector<1x1024xf32>
    %swap3A_59 = arith.constant 0 : index
    %swap3A_60 = arith.constant 2048 : index
    %swap3A_61 = vector.load %arg6[%swap3A_59, %swap3A_60] : memref<1x4096xf32, #tpu.memory_space<vmem>>, vector<1x1024xf32>
    tpu.vector_store %arg6[%swap3A_59, %swap3A_60], %dot_general3A_58 {strides = array<i32>} : memref<1x4096xf32, #tpu.memory_space<vmem>>, vector<1x1024xf32>,
    %get3A_62 = arith.constant 3072 : index
    %get3A_63 = arith.constant 0 : index
    %get3A_64 = vector.load %arg1[%get3A_62, %get3A_63] : memref<4096x512xf32, #tpu.memory_space<vmem>>, vector<1024x512xf32>
    %get3A_65 = arith.constant 3072 : index
    %get3A_66 = arith.constant 0 : index
    %get3A_67 = vector.load %arg2[%get3A_65, %get3A_66] : memref<4096x3xf32, #tpu.memory_space<vmem>>, vector<1024x3xf32>
    %concatenate3A_68 = tpu.concatenate %get3A_64, %get3A_67 in 1 : vector<1024x512xf32>, vector<1024x3xf32> -> vector<1024x515xf32>
    %dot_general3A_69 = arith.constant dense<0.000000e+00> : vector<1024x512xf32>
    %dot_general3A_70 = tpu.matmul %concatenate3A_68, %concatenate3A, %dot_general3A_69 {dimension_numbers = #tpu.dot_dimension_numbers<[1], [0], [0], [1], [0, 0, 1, 1], [], []>, transpose_lhs_hint = false} : vector<1024x515xf32>, vector<515x512xf32>, vector<1024x512xf32> -> vector<1024x512xf32>
    %max3A_71 = arith.constant 0.000000e+00 : f32
    %max3A_72 = vector.broadcast %max3A_71 : f32 to vector<1024x512xf32>
    %max3A_73 = arith.maximumf %dot_general3A_70, %max3A_72 : vector<1024x512xf32>
    %get3A_74 = arith.constant 0 : index
    %get3A_75 = arith.constant 0 : index
    %get3A_76 = vector.load %arg5[%get3A_74, %get3A_75] : memref<1x512xf32, #tpu.memory_space<vmem>>, vector<1x512xf32>
    %dot_general3A_77 = arith.constant dense<0.000000e+00> : vector<1x1024xf32>
    %dot_general3A_78 = tpu.matmul %get3A_76, %max3A_73, %dot_general3A_77 {dimension_numbers = #tpu.dot_dimension_numbers<[1], [1], [0], [0], [0, 0, 1, 0], [], []>, transpose_lhs_hint = false} : vector<1x512xf32>, vector<1024x512xf32>, vector<1x1024xf32> -> vector<1x1024xf32>
    %swap3A_79 = arith.constant 0 : index
    %swap3A_80 = arith.constant 3072 : index
    %swap3A_81 = vector.load %arg6[%swap3A_79, %swap3A_80] : memref<1x4096xf32, #tpu.memory_space<vmem>>, vector<1x1024xf32>
    tpu.vector_store %arg6[%swap3A_79, %swap3A_80], %dot_general3A_78 {strides = array<i32>} : memref<1x4096xf32, #tpu.memory_space<vmem>>, vector<1x1024xf32>,
    return
  }
  func.func @transform_0(%arg0: i32) -> (i32, i32) {
    %c0_i32 = arith.constant 0 : i32
    %c0_i32_0 = arith.constant 0 : i32
    return %arg0, %c0_i32 : i32, i32
  }
  func.func @transform_1(%arg0: i32) -> (i32, i32) {
    %c0_i32 = arith.constant 0 : i32
    %c0_i32_0 = arith.constant 0 : i32
    return %arg0, %c0_i32 : i32, i32
  }
  func.func @transform_2(%arg0: i32) -> (i32, i32) {
    %c0_i32 = arith.constant 0 : i32
    %c0_i32_0 = arith.constant 0 : i32
    %c0_i32_1 = arith.constant 0 : i32
    return %c0_i32, %c0_i32_0 : i32, i32
  }
  func.func @transform_3(%arg0: i32) -> (i32, i32) {
    %c0_i32 = arith.constant 0 : i32
    %c0_i32_0 = arith.constant 0 : i32
    %c0_i32_1 = arith.constant 0 : i32
    return %c0_i32, %c0_i32_0 : i32, i32
  }
  func.func @transform_4(%arg0: i32) -> (i32, i32) {
    %c0_i32 = arith.constant 0 : i32
    %c0_i32_0 = arith.constant 0 : i32
    %c0_i32_1 = arith.constant 0 : i32
    return %c0_i32, %c0_i32_0 : i32, i32
  }
  func.func @transform_5(%arg0: i32) -> (i32, i32) {
    %c0_i32 = arith.constant 0 : i32
    %c0_i32_0 = arith.constant 0 : i32
    return %c0_i32, %arg0 : i32, i32
  }
}

</mosaic_0001>

<sc_bundles>
// kernel: gather_offload_async_start.1
scs
__scs_entry_jumppad:
0x0: {  	(pc) =	sbr.rel $0x88, $3  }
0x1: {  	(tag) =	ssettag $0x0;
	lr =	simm.s32 $0x1  }
0x2: {  	[smem:$0x3F9D] =	sst lr;
	_ =	strace $0xD0000000  }
0x3: {  	_ = 	snop  }
0x4: {  	_ = 	snop  }
0x5: {  	_ = 	snop  }
0x6: {  	_ = 	snop  }
0x7: {  	_ = 	snop  }
__scs_overlays_trampoline_lowered:
0x8: {  	[smem:$0x3FAC] =	sst s0  }
0x9: {  	[smem:$0x3FAD] =	sst s1  }
0xa: {  	[smem:$0x3FAE] =	sst s2  }
0xb: {  	[smem:$0x3FAF] =	sst s3  }
0xc: {  	[smem:$0x3FB0] =	sst s4  }
0xd: {  	[smem:$0x3FB1] =	sst s5  }
0xe: {  	[smem:$0x3FB2] =	sst s6  }
0xf: {  	[smem:$0x3FB3] =	sst s7  }
0x10: {  	[smem:$0x3FB4] =	sst s8  }
0x11: {  	[smem:$0x3FB5] =	sst s9;
	s0 =	simm.s32 @!p0 $0x0  }
0x12: {  	s1 =	sld [smem:$0x3F9B];
	s0 =	simm.s32 @p0 $0x1  }
0x13: {  	[smem:$0x3FB6] =	sst s0;
	s0 =	simm.s32 @!p1 $0x0  }
0x14: {  	s2 =	sld [smem:$0x3F9A];
	s0 =	simm.s32 @p1 $0x1  }
0x15: {  	[smem:$0x3FB7] =	sst s0;
	s0 =	simm.s32 @!p2 $0x0  }
0x16: {  	s3 =	sld [smem:$0x3FDB];
	s0 =	simm.s32 @p2 $0x1  }
0x17: {  	s4 =	simm.s32 $0x1BF5;
	[smem:$0x3FB9] =	sst s0  }
0x18: {  	s0 =	sld [smem:$0x3F9C];
	_ =	swait.ge [sflag:s4], $0x0  }
0x19: {  	s7 =	sld [smem:$0x3F9D]  }
0x1a: {  	s8 =	sadd.s32 $0xFFFFE003, lr  }
0x1b: {  	s9 =	sadd.s32 $0xFFFFFEF7, lr;
	s5 =	simm.s32 $0xFFFFFFFF;
	p2 =	slt.u32 s8, $0xFFFFF086  }
0x1c: {  	p1 =	slt.u32 s9, $0xF7A;
	s5 =	simm.s32 @!p2 $0x0  }
0x1d: {  	s5 =	simm.s32 @p1 $0x1;
	p0 =	seq.s32 s7, s2  }
0x1e: {  	s7 =	smul.u32 @!p0 $0xF7A, s2;
	p2 =	seq.s32 @!p0 s5, $0x0  }
0x1f: {  	s9 =	smul.u32 $0xF7A, s1;
	s8 =	simm.s32 @!p0 $0x1BF5;
	p2 =	por !p2, p0  }
0x20: {  	[sflag:s8] =	ssyncset.s32 @!p0 $0xFFFFF086;
	s6 =	sadd.s32 @!p0 s3, s7;
	s7 =	simm.s32 @!p0 $0x108  }
0x21: {  	s3 =	sadd.s32 s3, s9;
	s6 =	sadd.s32 @!p0 $0x88, s6;
	s7 =	simm.s32 @p2 $0x1082  }
0x22: {  	[simem:s7], [sflag:s8] =	dma.local @!p0 [hbm:s6], $0xF7A  }
0x23: {  	s9 =	sor.u32 $0xD0000000, s2;
	s6 =	simm.s32 $0x108;
	_ =	swait.ge @!p0 [sflag:s8], $0x0  }
0x24: {  	s3 =	sadd.s32 $0x88, s3;
	s6 =	simm.s32 @!p1 $0x1082;
	[sflag:s4] =	ssyncset.s32 $0xFFFFF086  }
0x25: {  	[simem:s6], [sflag:s4] =	dma.local [hbm:s3], $0xF7A  }
0x26: {  	[smem:$0x3F9D] =	sst s1;
	(tag) =	ssettag s2;
	_ =	strace s9  }
0x27: {  	s1 =	sld [smem:$0x3FAD]  }
0x28: {  	s2 =	sld [smem:$0x3FAE]  }
0x29: {  	s4 =	sld [smem:$0x3FB0]  }
0x2a: {  	p0 =	seq.s32 s5, $0x0;
	s5 =	sld [smem:$0x3FB1]  }
0x2b: {  	s6 =	sld [smem:$0x3FB2]  }
0x2c: {  	s7 =	sld [smem:$0x3FB3]  }
0x2d: {  	s3 =	simm.s32 $0x108;
	s8 =	sld [smem:$0x3FB4]  }
0x2e: {  	s3 =	simm.s32 @!p0 $0x1082;
	s9 =	sld [smem:$0x3FB5]  }
0x2f: {  	lr =	sadd.s32 s0, s3;
	s0 =	sld [smem:$0x3FAC]  }
0x30: {  	s3 =	sld [smem:$0x3FAF]  }
0x31: {  	[smem:$0x3FB8] =	sst s10  }
0x32: {  	s10 =	sld [smem:$0x3FB6];
	_ =	sdelay $0x3  }
0x33: {  	p0 =	seq.s32 s10, $0x1;
	s10 =	sld [smem:$0x3FB8];
	_ =	sdelay $0x3  }
0x34: {  	[smem:$0x3FB8] =	sst s10  }
0x35: {  	s10 =	sld [smem:$0x3FB7];
	_ =	sdelay $0x3  }
0x36: {  	p1 =	seq.s32 s10, $0x1;
	s10 =	sld [smem:$0x3FB8];
	_ =	sdelay $0x3  }
0x37: {  	[smem:$0x3FB8] =	sst s10  }
0x38: {  	s10 =	sld [smem:$0x3FB9]  }
0x39: {  	_ = 	snop;
	(pc) =	sbr.ind lr, $3  }
0x3a: {  	_ = 	snop  }
0x3b: {  	_ = 	snop  }
0x3c: {  	p2 =	seq.s32 s10, $0x1;
	s10 =	sld [smem:$0x3FB8]  }
0x3d: {  	_ =	shalt  }
0x3e: {  	_ =	shalt  }
0x3f: {  	_ =	shalt  }
0x40: {  	_ =	shalt  }
0x41: {  	_ =	shalt  }
0x42: {  	_ =	shalt  }
0x43: {  	_ =	shalt  }
0x44: {  	_ =	shalt  }
0x45: {  	_ =	shalt  }
0x46: {  	_ =	shalt  }
0x47: {  	_ =	shalt  }
0x48: {  	_ =	shalt  }
0x49: {  	_ =	shalt  }
0x4a: {  	_ =	shalt  }
0x4b: {  	_ =	shalt  }
0x4c: {  	_ =	shalt  }
0x4d: {  	_ =	shalt  }
0x4e: {  	_ =	shalt  }
0x4f: {  	_ =	shalt  }
0x50: {  	_ =	shalt  }
0x51: {  	_ =	shalt  }
0x52: {  	_ =	shalt  }
0x53: {  	_ =	shalt  }
0x54: {  	_ =	shalt  }
0x55: {  	_ =	shalt  }
0x56: {  	_ =	shalt  }
0x57: {  	_ =	shalt  }
0x58: {  	_ =	shalt  }
0x59: {  	_ =	shalt  }
0x5a: {  	_ =	shalt  }
0x5b: {  	_ =	shalt  }
0x5c: {  	_ =	shalt  }
0x5d: {  	_ =	shalt  }
0x5e: {  	_ =	shalt  }
0x5f: {  	_ =	shalt  }
0x60: {  	_ =	shalt  }
0x61: {  	_ =	shalt  }
0x62: {  	_ =	shalt  }
0x63: {  	_ =	shalt  }
0x64: {  	_ =	shalt  }
0x65: {  	_ =	shalt  }
0x66: {  	_ =	shalt  }
0x67: {  	_ =	shalt  }
0x68: {  	_ =	shalt  }
0x69: {  	_ =	shalt  }
0x6a: {  	_ =	shalt  }
0x6b: {  	_ =	shalt  }
0x6c: {  	_ =	shalt  }
0x6d: {  	_ =	shalt  }
0x6e: {  	_ =	shalt  }
0x6f: {  	_ =	shalt  }
0x70: {  	_ =	shalt  }
0x71: {  	_ =	shalt  }
0x72: {  	_ =	shalt  }
0x73: {  	_ =	shalt  }
0x74: {  	_ =	shalt  }
0x75: {  	_ =	shalt  }
0x76: {  	_ =	shalt  }
0x77: {  	_ =	shalt  }
0x78: {  	_ =	shalt  }
0x79: {  	_ =	shalt  }
0x7a: {  	_ =	shalt  }
0x7b: {  	_ =	shalt  }
0x7c: {  	_ =	shalt  }
0x7d: {  	_ =	shalt  }
0x7e: {  	_ =	shalt  }
0x7f: {  	_ =	shalt  }
0x80: {  	_ =	shalt  }
0x81: {  	_ =	shalt  }
0x82: {  	_ =	shalt  }
0x83: {  	_ =	shalt  }
0x84: {  	_ =	shalt  }
0x85: {  	_ =	shalt  }
0x86: {  	_ =	shalt  }
0x87: {  	_ =	shalt  }
.Lfunc_end0:
.L_simem_size_0:
called_computation.1_lowered:
.L_overlay_start_0:
0x88: {  	s2 =	sld [smem:$0x3FD9]  }
0x89: {  	s3 =	sld [smem:$0x3FFE];
	_ =	sdelay $0x1  }
0x8a: {  	s1 =	srdreg.scid  }
0x8b: {  	s0 =	sand.u32 $0x1, s1  }
0x8c: {  	s16 =	sshll.u32 s0, $0xA;
	s2 =	sadd.s32 s3, s2  }
0x8d: {  	s2 =	sadd.s32 s2, s16  }
0x8e: {  	[smem:$0x3FC4] =	sst s2  }
0x8f: {  	_ = 	snop  }
0x90: {  	(tm) =	ssettm $0x1  }
0x91: {  	s17 =	sld [smem:$0x3FFB];
	_ =	sdelay $0x3  }
0x92: {  	_ =	strace s17  }
0x93: {  	s2 =	sld [smem:$0x3FFC];
	_ =	sdelay $0x3  }
0x94: {  	_ =	strace s2  }
0x95: {  	s2 =	sld [smem:$0x3FFD];
	_ =	sdelay $0x3  }
0x96: {  	_ =	strace s2  }
0x97: {  	_ =	strace $0x8FFFFFFF  }
0x98: {  	s18 =	sld [smem:$0x3FDB];
	_ =	sdelay $0x1  }
0x99: {  	s19 =	simm.s32 $_scs_section_size  }
0x9a: {  	s4 =	simm.s32 $_size__tile_overlayer_lowered;
	s5 =	simm.s32 $_tile_overlayer_lowered  }
0x9b: {  	s22 =	simm.s32 $0x1BFF;
	s21 =	sshll.u32 s5, $0x1;
	s2 =	sadd.s32 s19, s18  }
0x9c: {  	s6 =	simm.s32 $0x0;
	s20 =	sshll.u32 s4, $0x1;
	s4 =	sadd.s32 s21, s2  }
0x9d: {  	[timem:s6], [sflag:s22] =	dma.local [hbm:s4], s20  }
0x9e: {  	_ =	swait.ge [sflag:s22], s20  }
0x9f: {  	s3 =	ssub.s32 $0x0, s20;
	[sflag:s22] =	ssyncset.done $0x0  }
0xa0: {  	[sflag:s22] =	ssyncadd.s32 s3;
	_ =	sdelay $0x1  }
0xa1: {  	s23 =	simm.s32 $0x1B8B  }
0xa2: {  	_ =	swait.ge [sflag:s23], $0x1  }
0xa3: {  	[sflag:s23] =	ssyncset.done $0x0  }
0xa4: {  	s25 =	simm.s32 $0x1B8E;
	s24 =	sld [smem:$0x3FFE];
	[sflag:s23] =	ssyncadd.s32 $0xFFFFFFFF  }
0xa5: {  	s26 =	simm.s32 $execute0_lowered;
	[smem:$0x3FD2] =	sst s25  }
0xa6: {  	s4 =	sshll.u32 s26, $0x1;
	_ =	strace $0x80000046;
	[dreg:$0x1] =	wrdreg $0xFFFFFFFF  }
0xa7: {  	s28 =	simm.s32 $_size_execute0_lowered;
	s2 =	sadd.s32 s2, s4;
	[dreg:$0x0] =	wrdreg $0x0  }
0xa8: {  	s4 =	sshll.u32 s28, $0x1;
	[dreg:$0x2] =	wrdreg s2  }
0xa9: {  	[dreg:$0x3] =	wrdreg s4  }
0xaa: {  	[dreg:$0x4] =	wrdreg $0xC0  }
0xab: {  	_ =	task [dreg:s6], $0x5FFFF  }
0xac: {  	[dreg:$0x1] =	wrdreg $0xFFFFFFFF  }
0xad: {  	[dreg:$0x0] =	wrdreg $0x60  }
0xae: {  	[dreg:$0x2] =	wrdreg s24  }
0xaf: {  	[dreg:$0x3] =	wrdreg $0xA  }
0xb0: {  	_ =	task.clear_ibuf [dreg:s6], $0x4FFFF;
	_ =	strace $0x90000046  }
0xb1: {  	s29 =	simm.s32 $0xA;
	_ =	strace $0x80000048  }
0xb2: {  	_ =	swait.ge [sflag:s29], $0x1  }
0xb3: {  	[sflag:s29] =	ssyncadd.s32 $0xFFFFFFFF  }
0xb4: {  	_ =	strace $0x90000048  }
0xb5: {  	_ =	sfence  }
0xb6: {  	s30 =	sld [smem:$0x0];
	_ =	sdelay $0x2  }
0xb7: {  	s31 =	sshll.u32 s1, $0xD;
	s1 =	sshrl.u32 s1, $0x2  }
0xb8: {  	s3 =	sand.u32 $0x4000, s31;
	s1 =	sadd.s32 s1, s30  }
0xb9: {  	s0 =	sor.u32 s3, s0;
	s1 =	sshll.u32 s1, $0x11  }
0xba: {  	s0 =	sor.u32 s1, s0  }
0xbb: {  	s0 =	sadd.s32 $0x8F2B, s0  }
0xbc: {  	[sflag:s0] =	ssyncadd.remote.s32 $0x1  }
0xbd: {  	_ =	sfence.sel $0xFFFF  }
0xbe: {  	[dreg:$0x0] =	wrdreg $0xFFFFFFFF;
	(pc) =	sbr.abs _section_cstart, $3  }
0xbf: {  	[dreg:$0x1] =	wrdreg $0xFFFFFFFF  }
0xc0: {  	_ =	task.clear_ibuf [dreg:s6], $0x2FFFF;
	_ =	strace $0x9FFFFFFF  }
0xc1: {  	(tm) =	ssettm $0x7FFFFFFF  }
tec
execute0_lowered:
.L_overlay_start_1:
0x0: {  	(tag) =	ssettag $0x1  }
0x1: {  	s2 =	rddreg [dreg:$0x0]  }
0x2: {  	s0 =	rddreg [dreg:$0x1]  }
0x3: {  	s1 =	srdreg.scid;
	_ =	strace $0x80000047;
	s4 =	simm.s32 $0x1  }
0x4: {  	s9 =	simm.s32 $0x3;
	s12 =	simm.s32 $0x0;
	s5 =	sshll.u32 s1, $0x4  }
.Ltmp0:
0x5: {  	s1 =	stileid.u32;
	s5 =	sand.u32 $0x10, s5;
	(pc) =	sbr.rel .LBB2_1-.Ltmp0, $4  }
0x6: {  	s10 =	simm.s32 $0x0;
	s3 =	sadd.s32 $0x102000, s2;
	s6 =	sor.u32 s1, s5  }
0x7: {  	[sflag:s4] =	ssyncpa.u1 $0x0;
	s5 =	simm.s32 $0x2;
	s6 =	sshll.u32 s6, $0x8  }
0x8: {  	s7 =	sadd.s32 $0x102400, s2;
	[sflag:s5] =	ssyncpa.u1 $0x0;
	s8 =	sadd.s32 $0x100, s6  }
0x9: {  	vm0 =	vmmov $0xff;
	vm1 =	vcmask $0x3F20;
	[sflag:s9] =	ssyncpa.u1 $0x0;
	s9 =	simm.s32 $0x100;
	s11 =	smov.u32 s6  }
.LBB2_9:
0xa: {  	p0 =	seq.s32 s10, $0x2  }
.Ltmp1:
0xb: {  	_ = 	snop;
	(pc) =	sbr.rel @p0 .LBB2_11-.Ltmp1, $1  }
0xc: {  	_ =	sdelay $0x3  }
.LBB2_10:
0xd: {  	s12 =	sadd.s32 $0x100, s11  }
0xe: {  	s13 =	smov.u32 s6;
	p0 =	slt.s32 s12, s8  }
0xf: {  	s13 =	smov.u32 @p0 s12  }
0x10: {  	s10 =	sadd.s32 $0x1, s10;
	s12 =	smov.u32 s11;
	s11 =	smov.u32 s13  }
.LBB2_1:
0x11: {  	p0 =	sne.s32 s10, $0x0  }
.Ltmp2:
0x12: {  	_ = 	snop;
	(pc) =	sbr.rel @!p0 .LBB2_2-.Ltmp2, $1  }
0x13: {  	_ =	sdelay $0x3  }
0x14: {  	s13 =	sand.u32 $0x1, s10  }
0x15: {  	p0 =	seq.s32 s13, $0x0  }
.Ltmp3:
0x16: {  	_ = 	snop;
	(pc) =	sbr.rel @p0 .LBB2_9-.Ltmp3, $1  }
0x17: {  	_ =	sdelay $0x3  }
0x18: {  	_ =	swait.ge [sflag:s5], $0x100  }
0x19: {  	[sflag:s5] =	ssyncset.done $0x0  }
0x1a: {  	s13 =	simm.s32 $0x0;
	[sflag:s5] =	ssyncadd.s32 $0xFFFFFF00  }
0x1b: {  	v0 =	vld.msk [tilespmem:s13+$0x100 ss:$0x1], $0xffff;
	_ =	sdelay $0x4  }
0x1c: {  	vm2 =	vgt.s32 v0, $0x0  }
0x1d: {  	v0 =	vnsel vm2, $0x0, v0  }
0x1e: {  	v0 =	vmin.u32 v0, $0xFFFF  }
0x1f: {  	v0 =	vshll.u32 v0, $0x4;
	_ =	sdelay $0x3  }
0x20: {  	s13 =	simm.s32 $0x8200  }
0x21: {  	[tilespmem:s13], [sflag:$0x1] =	stream.indirect_vreg.gather [hbm:s2], $0x80, v0, vm0, $0x38;
	[tilespmem:$0x10200] =	vst v63  }
0x22: {  	s14 =	simm.s32 $0x8600;
	s31 =	simm.s32 $0x10  }
0x23: {  	[tilespmem:s14], [sflag:$0x1] =	stream.indirect_vreg.gather [hbm:s2], $0x80, v0, vm1, $0x38;
	[tilespmem:$0x10200] =	vst v63  }
0x24: {  	s14 =	simm.s32 $0x80;
	v0 =	vld.msk [tilespmem:s31+$0x100 ss:$0x1], $0xffff  }
.LBB2_5:
0x25: {  	p0 =	sne.s32 s14, $0x3C0;
	_ =	sdelay $0x4  }
0x26: {  	vm2 =	vgt.s32 v0, $0x0  }
0x27: {  	v0 =	vnsel vm2, $0x0, v0  }
0x28: {  	v0 =	vmin.u32 v0, $0xFFFF  }
0x29: {  	v0 =	vshll.u32 v0, $0x4;
	_ =	sdelay $0x3  }
.Ltmp4:
0x2a: {  	s13 =	sadd.s32 $0x800, s13;
	(pc) =	sbr.rel @p0 .LBB2_5-.Ltmp4, $4  }
0x2b: {  	[tilespmem:s13], [sflag:$0x1] =	stream.indirect_vreg.gather [hbm:s2], $0x80, v0, vm0, $0x38;
	[tilespmem:$0x10200] =	vst v63  }
0x2c: {  	s15 =	sshra.s32 s14, $0x2;
	s16 =	sadd.s32 $0x400, s13  }
0x2d: {  	[tilespmem:s16], [sflag:$0x1] =	stream.indirect_vreg.gather [hbm:s2], $0x80, v0, vm1, $0x38;
	[tilespmem:$0x10200] =	vst v63  }
0x2e: {  	s14 =	sadd.s32 $0x40, s14;
	v0 =	vld.msk [tilespmem:s15+$0x100 ss:$0x1], $0xffff  }
0x2f: {  	_ =	sdelay $0x3  }
0x30: {  	vm2 =	vgt.s32 v0, $0x0  }
0x31: {  	v0 =	vnsel vm2, $0x0, v0  }
0x32: {  	v0 =	vmin.u32 v0, $0xFFFF  }
0x33: {  	v0 =	vshll.u32 v0, $0x4;
	_ =	sdelay $0x3  }
0x34: {  	s13 =	sadd.s32 $0x800, s13  }
0x35: {  	[tilespmem:s13], [sflag:$0x1] =	stream.indirect_vreg.gather [hbm:s2], $0x80, v0, vm0, $0x38;
	[tilespmem:$0x10200] =	vst v63  }
0x36: {  	s13 =	sadd.s32 $0x400, s13  }
0x37: {  	[tilespmem:s13], [sflag:$0x1] =	stream.indirect_vreg.gather [hbm:s2], $0x80, v0, vm1, $0x38;
	[tilespmem:$0x10200] =	vst v63  }
0x38: {  	s12 =	sshll.u32 s12, $0x4;
	s14 =	simm.s32 $0x80;
	_ =	swait.ge [sflag:s4], $0x8000  }
0x39: {  	s15 =	simm.s32 $0x8600;
	s12 =	sadd.s32 s12, s7;
	[sflag:s4] =	ssyncset.done $0x0  }
0x3a: {  	s16 =	sadd.s32 $0x0, s12;
	s13 =	simm.s32 $0x8200;
	[sflag:s4] =	ssyncadd.s32 $0xFFFF8000  }
.LBB2_7:
0x3b: {  	[hbm:s16] =	stream.linear.scatter [tilespmem:s13], [sflag:$0x3], $0x400, $0x38;
	[tilespmem:$0x10200] =	vst v63  }
0x3c: {  	s16 =	smov.u32 s14;
	s13 =	smov.u32 s15;
	p0 =	sne.s32 s14, $0xF80  }
.Ltmp5:
0x3d: {  	s14 =	sadd.s32 $0x80, s14;
	(pc) =	sbr.rel @p0 .LBB2_7-.Ltmp5, $2  }
0x3e: {  	_ =	sdelay $0x2  }
0x3f: {  	s15 =	sadd.s32 $0x400, s15;
	s16 =	sadd.s32 s16, s12  }
.Ltmp6:
0x40: {  	(pc) =	sbr.rel .LBB2_9-.Ltmp6, $2  }
0x41: {  	_ =	sdelay $0x2  }
0x42: {  	[hbm:s16] =	stream.linear.scatter [tilespmem:s13], [sflag:$0x3], $0x400, $0x38;
	[tilespmem:$0x10200] =	vst v63  }
.LBB2_2:
.Ltmp7:
0x43: {  	(pc) =	sbr.rel .LBB2_10-.Ltmp7, $4  }
0x44: {  	_ = 	snop  }
0x45: {  	s12 =	sshrl.u32 s11, $0x3  }
0x46: {  	s13 =	sand.u32 $0x7, s11;
	s12 =	sadd.s32 s3, s12  }
0x47: {  	[tilespmem:s9], [sflag:$0x2] =	stream.linear.gather [hbm4b:s12+s13], $0x100, $0x38;
	[tilespmem:$0x10200] =	vst v63  }
.LBB2_11:
0x48: {  	s2 =	simm.s32 $0x3  }
0x49: {  	_ =	swait.ge [sflag:s2], $0x8000  }
0x4a: {  	[sflag:s2] =	ssyncset.done $0x0  }
0x4b: {  	[sflag:s2] =	ssyncadd.s32 $0xFFFF8000  }
0x4c: {  	_ =	sfence.sel $0x180000  }
0x4d: {  	s3 =	simm.s32 $0x2;
	[bflag:$0x0] =	sbarrier.arrive $0xFFFF  }
0x4e: {  	[sflag:s3] =	ssyncpa.u1 $0x1  }
0x4f: {  	s31 =	simm.s32 $0x1;
	[sflag:s2] =	ssyncpa.u1 $0x1  }
0x50: {  	[sflag:s31] =	ssyncpa.u1 $0x1  }
0x51: {  	p0 =	sne.s32 s1, $0x0;
	_ =	strace $0x90000047  }
0x52: {  	s0 =	sadd.s32 @!p0 $0x100000, s0;
	[bflag:$0x2] =	sbarrier.arrive $0xFFFF  }
0x53: {  	[sflag:s0] =	ssyncadd.tile.s32 @!p0 $0x1;
	_ =	shalt  }
.Lfunc_end2:
_tile_overlayer_lowered:
.L_overlay_start_2:
0x54: {  	(tag) =	ssettag $0x2  }
0x55: {  	s0 =	rddreg [dreg:$0x0];
	s2 =	stileid.u32  }
0x56: {  	s1 =	rddreg [dreg:$0x1];
	p0 =	sne.s32 s2, $0x0  }
0x57: {  	s3 =	rddreg [dreg:$0x2];
	[bflag:$0x3] =	sbarrier.arrive $0xFFFF;
	s2 =	simm.s32 @!p0 $0x1C01  }
0x58: {  	[timem:s3], [sflag:s2] =	dma.local @!p0 [hbm:s0], s1  }
0x59: {  	s0 =	simm.s32 @!p0 $0x1  }
0x5a: {  	_ =	swait.ge @!p0 [sflag:s0], s1  }
0x5b: {  	s1 =	ssub.s32 @!p0 $0x0, s1;
	[sflag:s0] =	ssyncset.done @!p0 $0x0  }
0x5c: {  	[sflag:s0] =	ssyncadd.s32 @!p0 s1  }
0x5d: {  	[bflag:$0x3] =	sbarrier.arrive $0xFFFF  }
0x5e: {  	_ =	shalt  }

// kernel: gather_offload_async_start
scs
__scs_entry_jumppad:
0x0: {  	(pc) =	sbr.rel $0x88, $3  }
0x1: {  	(tag) =	ssettag $0x0;
	lr =	simm.s32 $0x1  }
0x2: {  	[smem:$0x3F9D] =	sst lr;
	_ =	strace $0xD0000000  }
0x3: {  	_ = 	snop  }
0x4: {  	_ = 	snop  }
0x5: {  	_ = 	snop  }
0x6: {  	_ = 	snop  }
0x7: {  	_ = 	snop  }
__scs_overlays_trampoline_lowered:
0x8: {  	[smem:$0x3FAC] =	sst s0  }
0x9: {  	[smem:$0x3FAD] =	sst s1  }
0xa: {  	[smem:$0x3FAE] =	sst s2  }
0xb: {  	[smem:$0x3FAF] =	sst s3  }
0xc: {  	[smem:$0x3FB0] =	sst s4  }
0xd: {  	[smem:$0x3FB1] =	sst s5  }
0xe: {  	[smem:$0x3FB2] =	sst s6  }
0xf: {  	[smem:$0x3FB3] =	sst s7  }
0x10: {  	[smem:$0x3FB4] =	sst s8  }
0x11: {  	[smem:$0x3FB5] =	sst s9;
	s0 =	simm.s32 @!p0 $0x0  }
0x12: {  	s1 =	sld [smem:$0x3F9B];
	s0 =	simm.s32 @p0 $0x1  }
0x13: {  	[smem:$0x3FB6] =	sst s0;
	s0 =	simm.s32 @!p1 $0x0  }
0x14: {  	s2 =	sld [smem:$0x3F9A];
	s0 =	simm.s32 @p1 $0x1  }
0x15: {  	[smem:$0x3FB7] =	sst s0;
	s0 =	simm.s32 @!p2 $0x0  }
0x16: {  	s3 =	sld [smem:$0x3FDB];
	s0 =	simm.s32 @p2 $0x1  }
0x17: {  	s4 =	simm.s32 $0x1BF5;
	[smem:$0x3FB9] =	sst s0  }
0x18: {  	s0 =	sld [smem:$0x3F9C];
	_ =	swait.ge [sflag:s4], $0x0  }
0x19: {  	s7 =	sld [smem:$0x3F9D]  }
0x1a: {  	s8 =	sadd.s32 $0xFFFFE003, lr  }
0x1b: {  	s9 =	sadd.s32 $0xFFFFFEF7, lr;
	s5 =	simm.s32 $0xFFFFFFFF;
	p2 =	slt.u32 s8, $0xFFFFF086  }
0x1c: {  	p1 =	slt.u32 s9, $0xF7A;
	s5 =	simm.s32 @!p2 $0x0  }
0x1d: {  	s5 =	simm.s32 @p1 $0x1;
	p0 =	seq.s32 s7, s2  }
0x1e: {  	s7 =	smul.u32 @!p0 $0xF7A, s2;
	p2 =	seq.s32 @!p0 s5, $0x0  }
0x1f: {  	s9 =	smul.u32 $0xF7A, s1;
	s8 =	simm.s32 @!p0 $0x1BF5;
	p2 =	por !p2, p0  }
0x20: {  	[sflag:s8] =	ssyncset.s32 @!p0 $0xFFFFF086;
	s6 =	sadd.s32 @!p0 s3, s7;
	s7 =	simm.s32 @!p0 $0x108  }
0x21: {  	s3 =	sadd.s32 s3, s9;
	s6 =	sadd.s32 @!p0 $0x88, s6;
	s7 =	simm.s32 @p2 $0x1082  }
0x22: {  	[simem:s7], [sflag:s8] =	dma.local @!p0 [hbm:s6], $0xF7A  }
0x23: {  	s9 =	sor.u32 $0xD0000000, s2;
	s6 =	simm.s32 $0x108;
	_ =	swait.ge @!p0 [sflag:s8], $0x0  }
0x24: {  	s3 =	sadd.s32 $0x88, s3;
	s6 =	simm.s32 @!p1 $0x1082;
	[sflag:s4] =	ssyncset.s32 $0xFFFFF086  }
0x25: {  	[simem:s6], [sflag:s4] =	dma.local [hbm:s3], $0xF7A  }
0x26: {  	[smem:$0x3F9D] =	sst s1;
	(tag) =	ssettag s2;
	_ =	strace s9  }
0x27: {  	s1 =	sld [smem:$0x3FAD]  }
0x28: {  	s2 =	sld [smem:$0x3FAE]  }
0x29: {  	s4 =	sld [smem:$0x3FB0]  }
0x2a: {  	p0 =	seq.s32 s5, $0x0;
	s5 =	sld [smem:$0x3FB1]  }
0x2b: {  	s6 =	sld [smem:$0x3FB2]  }
0x2c: {  	s7 =	sld [smem:$0x3FB3]  }
0x2d: {  	s3 =	simm.s32 $0x108;
	s8 =	sld [smem:$0x3FB4]  }
0x2e: {  	s3 =	simm.s32 @!p0 $0x1082;
	s9 =	sld [smem:$0x3FB5]  }
0x2f: {  	lr =	sadd.s32 s0, s3;
	s0 =	sld [smem:$0x3FAC]  }
0x30: {  	s3 =	sld [smem:$0x3FAF]  }
0x31: {  	[smem:$0x3FB8] =	sst s10  }
0x32: {  	s10 =	sld [smem:$0x3FB6];
	_ =	sdelay $0x3  }
0x33: {  	p0 =	seq.s32 s10, $0x1;
	s10 =	sld [smem:$0x3FB8];
	_ =	sdelay $0x3  }
0x34: {  	[smem:$0x3FB8] =	sst s10  }
0x35: {  	s10 =	sld [smem:$0x3FB7];
	_ =	sdelay $0x3  }
0x36: {  	p1 =	seq.s32 s10, $0x1;
	s10 =	sld [smem:$0x3FB8];
	_ =	sdelay $0x3  }
0x37: {  	[smem:$0x3FB8] =	sst s10  }
0x38: {  	s10 =	sld [smem:$0x3FB9]  }
0x39: {  	_ = 	snop;
	(pc) =	sbr.ind lr, $3  }
0x3a: {  	_ = 	snop  }
0x3b: {  	_ = 	snop  }
0x3c: {  	p2 =	seq.s32 s10, $0x1;
	s10 =	sld [smem:$0x3FB8]  }
0x3d: {  	_ =	shalt  }
0x3e: {  	_ =	shalt  }
0x3f: {  	_ =	shalt  }
0x40: {  	_ =	shalt  }
0x41: {  	_ =	shalt  }
0x42: {  	_ =	shalt  }
0x43: {  	_ =	shalt  }
0x44: {  	_ =	shalt  }
0x45: {  	_ =	shalt  }
0x46: {  	_ =	shalt  }
0x47: {  	_ =	shalt  }
0x48: {  	_ =	shalt  }
0x49: {  	_ =	shalt  }
0x4a: {  	_ =	shalt  }
0x4b: {  	_ =	shalt  }
0x4c: {  	_ =	shalt  }
0x4d: {  	_ =	shalt  }
0x4e: {  	_ =	shalt  }
0x4f: {  	_ =	shalt  }
0x50: {  	_ =	shalt  }
0x51: {  	_ =	shalt  }
0x52: {  	_ =	shalt  }
0x53: {  	_ =	shalt  }
0x54: {  	_ =	shalt  }
0x55: {  	_ =	shalt  }
0x56: {  	_ =	shalt  }
0x57: {  	_ =	shalt  }
0x58: {  	_ =	shalt  }
0x59: {  	_ =	shalt  }
0x5a: {  	_ =	shalt  }
0x5b: {  	_ =	shalt  }
0x5c: {  	_ =	shalt  }
0x5d: {  	_ =	shalt  }
0x5e: {  	_ =	shalt  }
0x5f: {  	_ =	shalt  }
0x60: {  	_ =	shalt  }
0x61: {  	_ =	shalt  }
0x62: {  	_ =	shalt  }
0x63: {  	_ =	shalt  }
0x64: {  	_ =	shalt  }
0x65: {  	_ =	shalt  }
0x66: {  	_ =	shalt  }
0x67: {  	_ =	shalt  }
0x68: {  	_ =	shalt  }
0x69: {  	_ =	shalt  }
0x6a: {  	_ =	shalt  }
0x6b: {  	_ =	shalt  }
0x6c: {  	_ =	shalt  }
0x6d: {  	_ =	shalt  }
0x6e: {  	_ =	shalt  }
0x6f: {  	_ =	shalt  }
0x70: {  	_ =	shalt  }
0x71: {  	_ =	shalt  }
0x72: {  	_ =	shalt  }
0x73: {  	_ =	shalt  }
0x74: {  	_ =	shalt  }
0x75: {  	_ =	shalt  }
0x76: {  	_ =	shalt  }
0x77: {  	_ =	shalt  }
0x78: {  	_ =	shalt  }
0x79: {  	_ =	shalt  }
0x7a: {  	_ =	shalt  }
0x7b: {  	_ =	shalt  }
0x7c: {  	_ =	shalt  }
0x7d: {  	_ =	shalt  }
0x7e: {  	_ =	shalt  }
0x7f: {  	_ =	shalt  }
0x80: {  	_ =	shalt  }
0x81: {  	_ =	shalt  }
0x82: {  	_ =	shalt  }
0x83: {  	_ =	shalt  }
0x84: {  	_ =	shalt  }
0x85: {  	_ =	shalt  }
0x86: {  	_ =	shalt  }
0x87: {  	_ =	shalt  }
.Lfunc_end0:
.L_simem_size_0:
called_computation_lowered:
.L_overlay_start_0:
0x88: {  	s2 =	sld [smem:$0x3FD9]  }
0x89: {  	s3 =	sld [smem:$0x3FFE];
	_ =	sdelay $0x1  }
0x8a: {  	s1 =	srdreg.scid  }
0x8b: {  	s0 =	sand.u32 $0x1, s1  }
0x8c: {  	s15 =	sshll.u32 s0, $0xA;
	s2 =	sadd.s32 s3, s2  }
0x8d: {  	s2 =	sadd.s32 s2, s15  }
0x8e: {  	[smem:$0x3FC4] =	sst s2  }
0x8f: {  	_ = 	snop  }
0x90: {  	s16 =	sld [smem:$0x3FD0];
	_ =	sdelay $0x2  }
0x91: {  	s4 =	simm.s32 $0xB;
	s5 =	simm.s32 $0x10;
	s2 =	sld [smem:$0x3FC9]  }
0x92: {  	[smem:s5], [sflag:s4] =	dma.local [hbm:s16], $0x1  }
0x93: {  	_ =	swait.eq [sflag:s4], $0x1  }
0x94: {  	[sflag:s4] =	ssyncset.done $0x0  }
0x95: {  	[sflag:s4] =	ssyncadd.s32 $0xFFFFFFFF  }
0x96: {  	s17 =	sld [smem:$0x10];
	(tm) =	ssettm $0x1  }
0x97: {  	s18 =	sld [smem:$0x3FFB];
	_ =	sdelay $0x3  }
0x98: {  	_ =	strace s18  }
0x99: {  	s3 =	sld [smem:$0x3FFC];
	_ =	sdelay $0x3  }
0x9a: {  	_ =	strace s3  }
0x9b: {  	s3 =	sld [smem:$0x3FFD];
	_ =	sdelay $0x3  }
0x9c: {  	_ =	strace s3  }
0x9d: {  	_ =	strace $0x8FFFFFFF  }
0x9e: {  	s19 =	sld [smem:$0x3FDB];
	_ =	sdelay $0x1  }
0x9f: {  	s20 =	simm.s32 $_scs_section_size  }
0xa0: {  	s6 =	simm.s32 $_size__tile_overlayer_lowered;
	s7 =	simm.s32 $_tile_overlayer_lowered  }
0xa1: {  	s8 =	simm.s32 $0x1BFF;
	s21 =	sshll.u32 s7, $0x1;
	s5 =	sadd.s32 s20, s19  }
0xa2: {  	s22 =	simm.s32 $0x0;
	s6 =	sshll.u32 s6, $0x1;
	s7 =	sadd.s32 s21, s5  }
0xa3: {  	[timem:s22], [sflag:s8] =	dma.local [hbm:s7], s6  }
0xa4: {  	_ =	swait.ge [sflag:s8], s6  }
0xa5: {  	s6 =	ssub.s32 $0x0, s6;
	[sflag:s8] =	ssyncset.done $0x0  }
0xa6: {  	[sflag:s8] =	ssyncadd.s32 s6;
	_ =	sdelay $0x1  }
0xa7: {  	s23 =	simm.s32 $0x1B8B  }
0xa8: {  	_ =	swait.ge [sflag:s23], $0x1  }
0xa9: {  	[sflag:s23] =	ssyncset.done $0x0  }
0xaa: {  	[sflag:s23] =	ssyncadd.s32 $0xFFFFFFFF  }
0xab: {  	s6 =	sld [smem:$0x0]  }
0xac: {  	s7 =	sand.u32 $0xFFFFFFFE, s1  }
0xad: {  	p0 =	sne.s32 s1, s7  }
0xae: {  	s7 =	sshll.u32 @p0 s7, $0xE  }
0xaf: {  	s7 =	sadd.s32 @p0 $0x11B8D, s7;
	s8 =	sshll.u32 @p0 s6, $0x11  }
0xb0: {  	s7 =	sor.u32 @p0 s8, s7  }
0xb1: {  	[sflag:s7] =	ssyncadd.remote.s32 @p0 $0x1;
	_ =	sdelay $0x1  }
0xb2: {  	s7 =	simm.s32 @p0 $0x1B8D  }
0xb3: {  	_ =	swait.eq @p0 [sflag:s7], $0x1  }
0xb4: {  	[sflag:s7] =	ssyncadd.s32 @p0 $0xFFFFFFFF  }
0xb5: {  	s8 =	sshll.u32 @!p0 s1, $0xE  }
0xb6: {  	s8 =	sor.u32 @!p0 $0x4000, s8;
	s7 =	simm.s32 @!p0 $0x1B8D  }
0xb7: {  	s6 =	sshll.u32 @!p0 s6, $0x11;
	s8 =	sadd.s32 @!p0 $0x11B8D, s8;
	_ =	swait.eq @!p0 [sflag:s7], $0x1  }
0xb8: {  	s6 =	sor.u32 @!p0 s6, s8;
	[sflag:s7] =	ssyncadd.s32 @!p0 $0xFFFFFFFF  }
0xb9: {  	s25 =	simm.s32 $0x1B8E;
	s24 =	sld [smem:$0x3FFE];
	[sflag:s6] =	ssyncadd.remote.s32 @!p0 $0x1  }
0xba: {  	s26 =	simm.s32 $execute0_lowered;
	[smem:$0x3FD2] =	sst s25  }
0xbb: {  	s7 =	sshll.u32 s26, $0x1;
	_ =	strace $0x80000049;
	[dreg:$0x1] =	wrdreg $0xFFFFFFFF  }
0xbc: {  	s28 =	simm.s32 $_size_execute0_lowered;
	s5 =	sadd.s32 s5, s7;
	[dreg:$0x0] =	wrdreg $0x0  }
0xbd: {  	s7 =	sshll.u32 s28, $0x1;
	[dreg:$0x2] =	wrdreg s5  }
0xbe: {  	[dreg:$0x3] =	wrdreg s7  }
0xbf: {  	[dreg:$0x4] =	wrdreg $0xC0  }
0xc0: {  	_ =	task [dreg:s22], $0x5FFFF  }
0xc1: {  	[dreg:$0x1] =	wrdreg $0xFFFFFFFF  }
0xc2: {  	[dreg:$0x0] =	wrdreg $0x60  }
0xc3: {  	[dreg:$0x2] =	wrdreg s2  }
0xc4: {  	[dreg:$0x3] =	wrdreg s24  }
0xc5: {  	[dreg:$0x4] =	wrdreg s17  }
0xc6: {  	[dreg:$0x5] =	wrdreg $0x9  }
0xc7: {  	_ =	task.clear_ibuf [dreg:s22], $0x6FFFF;
	_ =	strace $0x90000049  }
0xc8: {  	s29 =	simm.s32 $0x9;
	_ =	strace $0x8000004B  }
0xc9: {  	_ =	swait.ge [sflag:s29], $0x1  }
0xca: {  	[sflag:s29] =	ssyncadd.s32 $0xFFFFFFFF  }
0xcb: {  	_ =	strace $0x9000004B  }
0xcc: {  	_ =	sfence  }
0xcd: {  	s30 =	sld [smem:$0x0];
	_ =	sdelay $0x2  }
0xce: {  	s31 =	sshll.u32 s1, $0xD;
	s1 =	sshrl.u32 s1, $0x2  }
0xcf: {  	s4 =	sand.u32 $0x4000, s31;
	s1 =	sadd.s32 s1, s30  }
0xd0: {  	s0 =	sor.u32 s4, s0;
	s1 =	sshll.u32 s1, $0x11  }
0xd1: {  	s0 =	sor.u32 s1, s0  }
0xd2: {  	s0 =	sadd.s32 $0x8F2B, s0  }
0xd3: {  	[sflag:s0] =	ssyncadd.remote.s32 $0x1  }
0xd4: {  	_ =	sfence.sel $0xFFFF  }
0xd5: {  	[dreg:$0x0] =	wrdreg $0xFFFFFFFF;
	(pc) =	sbr.abs _section_cstart, $3  }
0xd6: {  	[dreg:$0x1] =	wrdreg $0xFFFFFFFF  }
0xd7: {  	_ =	task.clear_ibuf [dreg:s22], $0x2FFFF;
	_ =	strace $0x9FFFFFFF  }
0xd8: {  	(tm) =	ssettm $0x7FFFFFFF  }
0xd9: {  	_ =	shalt  }
tec
execute0_lowered:
.L_overlay_start_1:
0x0: {  	(tag) =	ssettag $0x1  }
0x1: {  	s2 =	rddreg [dreg:$0x0]  }
0x2: {  	s7 =	rddreg [dreg:$0x1]  }
0x3: {  	s3 =	rddreg [dreg:$0x2]  }
0x4: {  	s0 =	rddreg [dreg:$0x3];
	s1 =	srdreg.scid;
	_ =	strace $0x8000004A  }
0x5: {  	s4 =	simm.s32 $0x1;
	s9 =	simm.s32 $0x3;
	s5 =	sshll.u32 s1, $0x4  }
.Ltmp0:
0x6: {  	s1 =	stileid.u32;
	s5 =	sand.u32 $0x10, s5;
	(pc) =	sbr.rel .LBB2_1-.Ltmp0, $4  }
0x7: {  	s11 =	simm.s32 $0x0;
	p0 =	por $0x0, $0x0;
	s6 =	sor.u32 s1, s5  }
0x8: {  	[sflag:s4] =	ssyncpa.u1 $0x0;
	s5 =	simm.s32 $0x2;
	s6 =	sshll.u32 s6, $0x8  }
0x9: {  	s7 =	sadd.s32 $0x102000, s7;
	[sflag:s5] =	ssyncpa.u1 $0x0;
	s8 =	sadd.s32 $0x100, s6  }
0xa: {  	vm0 =	vmmov $0xff;
	vm1 =	vcmask $0x3F20;
	[sflag:s9] =	ssyncpa.u1 $0x0;
	s10 =	smov.u32 s6;
	s9 =	simm.s32 $0x0  }
.LBB2_9:
0xb: {  	p1 =	slt.u32 s9, $0x2;
	s11 =	sadd.s32 $0x40, s10  }
0xc: {  	s13 =	smov.u32 s6;
	s9 =	sadd.s32 $0x1, s9;
	p2 =	slt.s32 s11, s8  }
0xd: {  	s13 =	smov.u32 @p2 s11;
	p2 =	sne.s32 s9, $0x6  }
.Ltmp1:
0xe: {  	_ = 	snop;
	(pc) =	sbr.rel @!p2 .LBB2_10-.Ltmp1, $4  }
0xf: {  	s12 =	simm.s32 @!p1 $0x3  }
0x10: {  	_ =	swait.ge @!p1 [sflag:s12], $0x8000  }
0x11: {  	p0 =	por !p0, !p0;
	[sflag:s12] =	ssyncset.done @!p1 $0x0  }
0x12: {  	s11 =	smov.u32 s10;
	s10 =	smov.u32 s13;
	[sflag:s12] =	ssyncadd.s32 @!p1 $0xFFFF8000  }
.LBB2_1:
0x13: {  	p1 =	sgt.u32 s9, $0x3  }
0x14: {  	s12 =	sxor.u32 @!p1 $0xFFFFFFFF, s9  }
0x15: {  	s13 =	sshrl.u32 @!p1 s10, $0x3;
	s12 =	sshll.u32 @!p1 s12, $0x6  }
0x16: {  	s14 =	sand.u32 @!p1 $0x7, s10;
	s13 =	sadd.s32 @!p1 s7, s13;
	s12 =	sand.u32 @!p1 $0x40, s12  }
0x17: {  	[tilespmem:s12], [sflag:$0x2] =	stream.linear.gather @!p1 [hbm4b:s13+s14], $0x40, $0x38;
	[tilespmem:$0x10080] =	vst v63  }
0x18: {  	p1 =	seq.s32 s9, $0x0  }
0x19: {  	p2 =	seq.s32 @!p1 s9, $0x5  }
0x1a: {  	p1 =	por p1, p2  }
.Ltmp2:
0x1b: {  	_ = 	snop;
	(pc) =	sbr.rel @p1 .LBB2_9-.Ltmp2, $1  }
0x1c: {  	_ =	sdelay $0x3  }
0x1d: {  	s12 =	simm.s32 $0x1  }
0x1e: {  	s12 =	simm.s32 @!p0 $0x0  }
0x1f: {  	_ =	swait.ge [sflag:s5], $0x40;
	s13 =	sand.u32 $0x1, s9;
	s12 =	sshll.u32 s12, $0xF  }
0x20: {  	s14 =	simm.s32 $0x0;
	[sflag:s5] =	ssyncset.done $0x0;
	s12 =	sor.u32 $0x80, s12  }
0x21: {  	s13 =	sshll.u32 s13, $0x6;
	[sflag:s5] =	ssyncadd.s32 $0xFFFFFFC0;
	s15 =	smov.u32 s12  }
.LBB2_3:
0x22: {  	s16 =	sshll.u32 s14, $0x4  }
0x23: {  	s16 =	sand.u32 $0x3FFFFFF0, s16  }
0x24: {  	s16 =	sadd.s32 s16, s13  }
0x25: {  	v0 =	vld.msk [tilespmem:s16+$0x0 ss:$0x1], $0xffff;
	_ =	sdelay $0x4  }
0x26: {  	vm2 =	vgt.s32 v0, $0x0  }
0x27: {  	v0 =	vnsel vm2, $0x0, v0  }
0x28: {  	v0 =	vmin.u32 v0, $0xFFFF  }
0x29: {  	v1 =	vshll.u32 v0, $0x6;
	v0 =	vshll.u32 v0, $0x4  }
0x2a: {  	v1 =	vand.u32 $0x3FFE00, v1;
	v0 =	vand.u32 $0x70, v0  }
0x2b: {  	v0 =	vor.u32 v0, v1;
	_ =	sdelay $0x3  }
0x2c: {  	s17 =	sadd.s32 $0x0, s15  }
0x2d: {  	[tilespmem:s17], [sflag:$0x1] =	stream.indirect_vreg.gather [hbm:s2], $0x80, v0, vm0, $0x38;
	[tilespmem:$0x10080] =	vst v63  }
0x2e: {  	s16 =	simm.s32 $0x1000;
	v1 =	vadd.s32 $0x80, v0;
	s17 =	sadd.s32 $0x1000, s17  }
.LBB2_4:
0x2f: {  	[tilespmem:s17], [sflag:$0x1] =	stream.indirect_vreg.gather [hbm:s2], $0x80, v0, vm1, $0x38;
	[tilespmem:$0x10080] =	vst v63  }
0x30: {  	v0 =	vmov v1;
	s17 =	smov.u32 s16;
	p1 =	sne.s32 s16, $0x3000  }
.Ltmp3:
0x31: {  	s16 =	sadd.s32 $0x1000, s16;
	(pc) =	sbr.rel @p1 .LBB2_4-.Ltmp3, $4  }
0x32: {  	s17 =	sshra.s32 s17, $0x2  }
0x33: {  	s17 =	sadd.s32 s17, s15  }
0x34: {  	[tilespmem:s17], [sflag:$0x1] =	stream.indirect_vreg.gather [hbm:s2], $0x80, v1, vm0, $0x38;
	[tilespmem:$0x10080] =	vst v63  }
0x35: {  	s17 =	sadd.s32 $0x1000, s17;
	v1 =	vadd.s32 $0x80, v1  }
0x36: {  	s14 =	sadd.s32 $0x1, s14  }
0x37: {  	p1 =	sne.s32 s14, $0x4  }
.Ltmp4:
0x38: {  	_ = 	snop;
	(pc) =	sbr.rel @p1 .LBB2_3-.Ltmp4, $3  }
0x39: {  	_ =	sdelay $0x1  }
0x3a: {  	[tilespmem:s17], [sflag:$0x1] =	stream.indirect_vreg.gather [hbm:s2], $0x80, v0, vm1, $0x38;
	[tilespmem:$0x10080] =	vst v63  }
0x3b: {  	s15 =	sadd.s32 $0x2000, s15  }
0x3c: {  	s13 =	sshll.u32 s11, $0x6  }
0x3d: {  	s31 =	sshll.u32 s11, $0x4;
	s13 =	sand.u32 $0xFFFFFE00, s13  }
0x3e: {  	_ =	swait.ge [sflag:s4], $0x8000;
	s11 =	sand.u32 $0x70, s31;
	s13 =	sadd.s32 s13, s3  }
0x3f: {  	s14 =	sadd.s32 $0x1000, s12;
	[sflag:s4] =	ssyncset.done $0x0;
	s11 =	sadd.s32 s11, s13  }
0x40: {  	[sflag:s4] =	ssyncadd.s32 $0xFFFF8000;
	s13 =	simm.s32 $0x200;
	s15 =	sadd.s32 $0x0, s11  }
.LBB2_7:
0x41: {  	[hbm:s15] =	stream.linear.scatter [tilespmem:s12], [sflag:$0x3], $0x1000, $0x38;
	[tilespmem:$0x10080] =	vst v63  }
0x42: {  	s15 =	smov.u32 s13;
	s12 =	smov.u32 s14;
	p1 =	sne.s32 s13, $0xE00  }
.Ltmp5:
0x43: {  	s13 =	sadd.s32 $0x200, s13;
	(pc) =	sbr.rel @p1 .LBB2_7-.Ltmp5, $2  }
0x44: {  	_ =	sdelay $0x2  }
0x45: {  	s14 =	sadd.s32 $0x1000, s14;
	s15 =	sadd.s32 s15, s11  }
.Ltmp6:
0x46: {  	(pc) =	sbr.rel .LBB2_9-.Ltmp6, $2  }
0x47: {  	_ =	sdelay $0x2  }
0x48: {  	[hbm:s15] =	stream.linear.scatter [tilespmem:s12], [sflag:$0x3], $0x1000, $0x38;
	[tilespmem:$0x10080] =	vst v63  }
.LBB2_10:
0x49: {  	_ =	sfence.sel $0x180000  }
0x4a: {  	s2 =	simm.s32 $0x2;
	[bflag:$0x0] =	sbarrier.arrive $0xFFFF  }
0x4b: {  	s30 =	simm.s32 $0x3;
	[sflag:s2] =	ssyncpa.u1 $0x1  }
0x4c: {  	s31 =	simm.s32 $0x1;
	[sflag:s30] =	ssyncpa.u1 $0x1  }
0x4d: {  	[sflag:s31] =	ssyncpa.u1 $0x1  }
0x4e: {  	p0 =	sne.s32 s1, $0x0;
	_ =	strace $0x9000004A  }
0x4f: {  	s0 =	sadd.s32 @!p0 $0x100000, s0;
	[bflag:$0x2] =	sbarrier.arrive $0xFFFF  }
0x50: {  	[sflag:s0] =	ssyncadd.tile.s32 @!p0 $0x1;
	_ =	shalt  }
.Lfunc_end2:
_tile_overlayer_lowered:
.L_overlay_start_2:
0x51: {  	(tag) =	ssettag $0x2  }
0x52: {  	s0 =	rddreg [dreg:$0x0];
	s2 =	stileid.u32  }
0x53: {  	s1 =	rddreg [dreg:$0x1];
	p0 =	sne.s32 s2, $0x0  }
0x54: {  	s3 =	rddreg [dreg:$0x2];
	[bflag:$0x3] =	sbarrier.arrive $0xFFFF;
	s2 =	simm.s32 @!p0 $0x1C01  }
0x55: {  	[timem:s3], [sflag:s2] =	dma.local @!p0 [hbm:s0], s1  }
0x56: {  	s0 =	simm.s32 @!p0 $0x1  }
0x57: {  	_ =	swait.ge @!p0 [sflag:s0], s1  }
0x58: {  	s1 =	ssub.s32 @!p0 $0x0, s1;
	[sflag:s0] =	ssyncset.done @!p0 $0x0  }
0x59: {  	[sflag:s0] =	ssyncadd.s32 @!p0 s1  }
0x5a: {  	[bflag:$0x3] =	sbarrier.arrive $0xFFFF  }
0x5b: {  	_ =	shalt  }

</sc_bundles>
